<compile_context>
chip_gen: v7x
topology: tpu7x:2x2x1
jax: 0.10.2.dev20260603
libtpu: 0.0.44.dev20260713+nightly
codegen_flags: <defaults>
</compile_context>

<pallas_src>
import dataclasses
import functools

import jax
import jax.numpy as jnp
from jax import lax
from jax.experimental import pallas as pl
from jax.experimental.pallas import tpu as pltpu
from jax.experimental.pallas import tpu_sc as plsc

_NUM_BINS = 65536
_N = 16777216
_NC = 2
_NS = 16
_L = 16
_NW = _NC * _NS
_PER_W = _N // _NW
_CHUNK = 16384
_NCHUNK = _PER_W // _CHUNK

_mesh = plsc.VectorSubcoreMesh(core_axis_name="c", subcore_axis_name="s")

_sc_params = pltpu.CompilerParams()
if "needs_layout_passes" in pltpu.CompilerParams.__dataclass_fields__:
    _sc_params = dataclasses.replace(_sc_params, needs_layout_passes=False)


@functools.partial(
    pl.kernel,
    out_type=jax.ShapeDtypeStruct((_NW, _NUM_BINS), jnp.int32),
    mesh=_mesh,
    scratch_types=[
        pltpu.VMEM((_NUM_BINS,), jnp.int32),
        pltpu.VMEM((_CHUNK,), jnp.int32),
        pltpu.VMEM((_CHUNK,), jnp.int32),
        pltpu.VMEM((_CHUNK,), jnp.int32),
        pltpu.SemaphoreType.DMA,
        pltpu.SemaphoreType.DMA,
        pltpu.SemaphoreType.DMA,
    ],
    compiler_params=_sc_params,
)
def _sc_hist(inp_hbm, out_hbm, hist, buf_a, buf_b, buf_c, sem_a, sem_b, sem_c):
    wid = lax.axis_index("s") * _NC + lax.axis_index("c")
    base = wid * _PER_W

    zeros = jnp.zeros((_L,), jnp.int32)
    ones = jnp.ones((_L,), jnp.int32)

    def start(g, buf, sem):
        pltpu.async_copy(inp_hbm.at[pl.ds(base + g * _CHUNK, _CHUNK)], buf, sem)

    def wait(buf, sem):
        pltpu.make_async_copy(inp_hbm.at[pl.ds(base, _CHUNK)], buf, sem).wait()

    def process(buf):
        @plsc.parallel_loop(0, _CHUNK, step=_L, unroll=16)
        def _upd(i):
            idx = buf[pl.ds(i, _L)]
            plsc.addupdate_scatter(hist, [idx], ones)

    start(0, buf_a, sem_a)
    start(1, buf_b, sem_b)
    start(2, buf_c, sem_c)

    @pl.loop(0, _NUM_BINS, step=_L * 32)
    def _zero(i):
        for j in range(32):
            hist[pl.ds(i + j * _L, _L)] = zeros

    @pl.loop(0, _NCHUNK, step=3)
    def _chunks(g):
        for k, (buf, sem) in enumerate(
            ((buf_a, sem_a), (buf_b, sem_b), (buf_c, sem_c))
        ):
            @pl.when(g + k < _NCHUNK)
            def _():
                wait(buf, sem)
                process(buf)

                @pl.when(g + k + 3 < _NCHUNK)
                def _():
                    start(g + k + 3, buf, sem)

    pltpu.sync_copy(hist, out_hbm.at[wid])


_RCOLS = 32768


def _reduce_body(x_ref, o_ref):
    x = x_ref[...]
    s = x[0:8] + x[8:16] + x[16:24] + x[24:32]
    o_ref[...] = jnp.sum(s, axis=0)


_tc_reduce = pl.pallas_call(
    _reduce_body,
    out_shape=jax.ShapeDtypeStruct((_NUM_BINS,), jnp.int32),
    in_specs=[pl.BlockSpec((_NW, _RCOLS), lambda i: (0, i))],
    out_specs=pl.BlockSpec((_RCOLS,), lambda i: (i,)),
    grid=(_NUM_BINS // _RCOLS,),
)


def kernel(input):
    partials = _sc_hist(input)
    return _tc_reduce(partials)

# --- scband reference (transcript-rebuilt; emitter-appended) ---
"""Pipeline reference for scband-counts-19198503813818 (READ-ONLY COPY).

The authoritative reference and input builder live on the scoring server;
editing this copy changes nothing except your own understanding.
"""

import jax, jax.numpy as jnp
import numpy as np

NUM_BINS = 65536

def setup_inputs(seed: int = 0) -> dict:
    key = jax.random.key(seed)
    inp = jax.random.randint(key, (16777216,), 0, NUM_BINS, dtype=jnp.int32)
    return {"input": inp}

def reference(input) -> jnp.ndarray:
    # tf.math.bincount(input): counts occurrences of each integer value.
    # TF returns length = max(input)+1; with uniform randint over [0, NUM_BINS)
    # the max is (almost surely) NUM_BINS-1, so a fixed length=NUM_BINS is the
    # faithful, jit-compatible equivalent.
    return jnp.bincount(input, length=NUM_BINS)

if __name__ == "__main__":
    import jax
    _d = setup_inputs()
    print(jax.jit(kernel)(*tuple(_d.values())))

</pallas_src>

<mosaic_0001>
#map = affine_map<(d0, d1) -> (0)>
#map1 = affine_map<(d0, d1) -> (0, 0)>
module attributes {stable_mosaic.version = 14 : i64} {
  func.func @_sc_hist(%arg0: i32, %arg1: i32, %arg2: memref<16777216xi32, #tpu.memory_space<hbm>>, %arg3: memref<32x65536xi32, #tpu.memory_space<hbm>>, %arg4: memref<65536xi32, #tpu.memory_space<vmem>>, %arg5: memref<16384xi32, #tpu.memory_space<vmem>>, %arg6: memref<16384xi32, #tpu.memory_space<vmem>>, %arg7: memref<16384xi32, #tpu.memory_space<vmem>>, %arg8: memref<!tpu.dma_semaphore, #tpu.memory_space<semaphore_mem>>, %arg9: memref<!tpu.dma_semaphore, #tpu.memory_space<semaphore_mem>>, %arg10: memref<!tpu.dma_semaphore, #tpu.memory_space<semaphore_mem>>) attributes {dimension_semantics = [#tpu.dimension_semantics<core_parallel>, #tpu.dimension_semantics<subcore_parallel>], iteration_bounds = array<i64: 2, 16>, scalar_prefetch = 0 : i64, scratch_operands = 7 : i64, tpu.core_type = #tpu.core_type<sc_vector_subcore>, window_params = [{transform_indices = #map}, {transform_indices = #map1}]} {
    %mul3A = arith.constant 2 : i32
    %mul3A_0 = arith.muli %arg1, %mul3A : i32
    %add3A = arith.addi %mul3A_0, %arg0 : i32
    %mul3A_1 = arith.constant 524288 : i32
    %mul3A_2 = arith.muli %add3A, %mul3A_1 : i32
    %broadcast_in_dim3A = arith.constant 0 : i32
    %broadcast_in_dim3A_3 = vector.broadcast %broadcast_in_dim3A : i32 to vector<16xi32>
    %broadcast_in_dim3A_4 = arith.constant 1 : i32
    %broadcast_in_dim3A_5 = vector.broadcast %broadcast_in_dim3A_4 : i32 to vector<16xi32>
    %add3A_6 = arith.constant 0 : i32
    %add3A_7 = arith.addi %mul3A_2, %add3A_6 : i32
    %dma_start3A = tpu.memref_slice %arg2[%add3A_7] : memref<16777216xi32, #tpu.memory_space<hbm>> -> memref<16384xi32, #tpu.memory_space<hbm>>
    %dma_start3A_8 = tpu.memref_slice %arg2[%add3A_7] : memref<16777216xi32, #tpu.memory_space<hbm>> -> memref<16384xi32, #tpu.memory_space<hbm>>
    tpu.enqueue_dma source(%dma_start3A_8 : memref<16384xi32, #tpu.memory_space<hbm>>) target(%arg5 : memref<16384xi32, #tpu.memory_space<vmem>>) target_semaphore(%arg8 : memref<!tpu.dma_semaphore, #tpu.memory_space<semaphore_mem>>)
    %add3A_9 = arith.constant 16384 : i32
    %add3A_10 = arith.addi %mul3A_2, %add3A_9 : i32
    %dma_start3A_11 = tpu.memref_slice %arg2[%add3A_10] : memref<16777216xi32, #tpu.memory_space<hbm>> -> memref<16384xi32, #tpu.memory_space<hbm>>
    %dma_start3A_12 = tpu.memref_slice %arg2[%add3A_10] : memref<16777216xi32, #tpu.memory_space<hbm>> -> memref<16384xi32, #tpu.memory_space<hbm>>
    tpu.enqueue_dma source(%dma_start3A_12 : memref<16384xi32, #tpu.memory_space<hbm>>) target(%arg6 : memref<16384xi32, #tpu.memory_space<vmem>>) target_semaphore(%arg9 : memref<!tpu.dma_semaphore, #tpu.memory_space<semaphore_mem>>)
    %add3A_13 = arith.constant 32768 : i32
    %add3A_14 = arith.addi %mul3A_2, %add3A_13 : i32
    %dma_start3A_15 = tpu.memref_slice %arg2[%add3A_14] : memref<16777216xi32, #tpu.memory_space<hbm>> -> memref<16384xi32, #tpu.memory_space<hbm>>
    %dma_start3A_16 = tpu.memref_slice %arg2[%add3A_14] : memref<16777216xi32, #tpu.memory_space<hbm>> -> memref<16384xi32, #tpu.memory_space<hbm>>
    tpu.enqueue_dma source(%dma_start3A_16 : memref<16384xi32, #tpu.memory_space<hbm>>) target(%arg7 : memref<16384xi32, #tpu.memory_space<vmem>>) target_semaphore(%arg10 : memref<!tpu.dma_semaphore, #tpu.memory_space<semaphore_mem>>)
    %scan3A = arith.constant 0 : i32
    %scan3A_17 = arith.constant 128 : i32
    %scan3A_18 = arith.addi %scan3A, %scan3A_17 : i32
    %scan3A_19 = arith.constant 1 : i32
    scf.for %scan3A_26 = %scan3A to %scan3A_18 step %scan3A_19  : i32 {
      %mul3A_27 = arith.constant 512 : i32
      %mul3A_28 = arith.muli %scan3A_26, %mul3A_27 : i32
      %add3A_29 = arith.constant 0 : i32
      %add3A_30 = arith.addi %add3A_29, %mul3A_28 : i32
      %add3A_31 = arith.constant 0 : i32
      %add3A_32 = arith.addi %add3A_30, %add3A_31 : i32
      %swap3A = arith.index_cast %add3A_32 : i32 to index
      %swap3A_33 = tpu.vector_load %arg4[%swap3A] {strides = array<i32>} : memref<65536xi32, #tpu.memory_space<vmem>>, vector<16xi32>,
      tpu.vector_store %arg4[%swap3A], %broadcast_in_dim3A_3 {strides = array<i32>} : memref<65536xi32, #tpu.memory_space<vmem>>, vector<16xi32>,
      %add3A_34 = arith.constant 16 : i32
      %add3A_35 = arith.addi %add3A_30, %add3A_34 : i32
      %swap3A_36 = arith.index_cast %add3A_35 : i32 to index
      %swap3A_37 = tpu.vector_load %arg4[%swap3A_36] {strides = array<i32>} : memref<65536xi32, #tpu.memory_space<vmem>>, vector<16xi32>,
      tpu.vector_store %arg4[%swap3A_36], %broadcast_in_dim3A_3 {strides = array<i32>} : memref<65536xi32, #tpu.memory_space<vmem>>, vector<16xi32>,
      %add3A_38 = arith.constant 32 : i32
      %add3A_39 = arith.addi %add3A_30, %add3A_38 : i32
      %swap3A_40 = arith.index_cast %add3A_39 : i32 to index
      %swap3A_41 = tpu.vector_load %arg4[%swap3A_40] {strides = array<i32>} : memref<65536xi32, #tpu.memory_space<vmem>>, vector<16xi32>,
      tpu.vector_store %arg4[%swap3A_40], %broadcast_in_dim3A_3 {strides = array<i32>} : memref<65536xi32, #tpu.memory_space<vmem>>, vector<16xi32>,
      %add3A_42 = arith.constant 48 : i32
      %add3A_43 = arith.addi %add3A_30, %add3A_42 : i32
      %swap3A_44 = arith.index_cast %add3A_43 : i32 to index
      %swap3A_45 = tpu.vector_load %arg4[%swap3A_44] {strides = array<i32>} : memref<65536xi32, #tpu.memory_space<vmem>>, vector<16xi32>,
      tpu.vector_store %arg4[%swap3A_44], %broadcast_in_dim3A_3 {strides = array<i32>} : memref<65536xi32, #tpu.memory_space<vmem>>, vector<16xi32>,
      %add3A_46 = arith.constant 64 : i32
      %add3A_47 = arith.addi %add3A_30, %add3A_46 : i32
      %swap3A_48 = arith.index_cast %add3A_47 : i32 to index
      %swap3A_49 = tpu.vector_load %arg4[%swap3A_48] {strides = array<i32>} : memref<65536xi32, #tpu.memory_space<vmem>>, vector<16xi32>,
      tpu.vector_store %arg4[%swap3A_48], %broadcast_in_dim3A_3 {strides = array<i32>} : memref<65536xi32, #tpu.memory_space<vmem>>, vector<16xi32>,
      %add3A_50 = arith.constant 80 : i32
      %add3A_51 = arith.addi %add3A_30, %add3A_50 : i32
      %swap3A_52 = arith.index_cast %add3A_51 : i32 to index
      %swap3A_53 = tpu.vector_load %arg4[%swap3A_52] {strides = array<i32>} : memref<65536xi32, #tpu.memory_space<vmem>>, vector<16xi32>,
      tpu.vector_store %arg4[%swap3A_52], %broadcast_in_dim3A_3 {strides = array<i32>} : memref<65536xi32, #tpu.memory_space<vmem>>, vector<16xi32>,
      %add3A_54 = arith.constant 96 : i32
      %add3A_55 = arith.addi %add3A_30, %add3A_54 : i32
      %swap3A_56 = arith.index_cast %add3A_55 : i32 to index
      %swap3A_57 = tpu.vector_load %arg4[%swap3A_56] {strides = array<i32>} : memref<65536xi32, #tpu.memory_space<vmem>>, vector<16xi32>,
      tpu.vector_store %arg4[%swap3A_56], %broadcast_in_dim3A_3 {strides = array<i32>} : memref<65536xi32, #tpu.memory_space<vmem>>, vector<16xi32>,
      %add3A_58 = arith.constant 112 : i32
      %add3A_59 = arith.addi %add3A_30, %add3A_58 : i32
      %swap3A_60 = arith.index_cast %add3A_59 : i32 to index
      %swap3A_61 = tpu.vector_load %arg4[%swap3A_60] {strides = array<i32>} : memref<65536xi32, #tpu.memory_space<vmem>>, vector<16xi32>,
      tpu.vector_store %arg4[%swap3A_60], %broadcast_in_dim3A_3 {strides = array<i32>} : memref<65536xi32, #tpu.memory_space<vmem>>, vector<16xi32>,
      %add3A_62 = arith.constant 128 : i32
      %add3A_63 = arith.addi %add3A_30, %add3A_62 : i32
      %swap3A_64 = arith.index_cast %add3A_63 : i32 to index
      %swap3A_65 = tpu.vector_load %arg4[%swap3A_64] {strides = array<i32>} : memref<65536xi32, #tpu.memory_space<vmem>>, vector<16xi32>,
      tpu.vector_store %arg4[%swap3A_64], %broadcast_in_dim3A_3 {strides = array<i32>} : memref<65536xi32, #tpu.memory_space<vmem>>, vector<16xi32>,
      %add3A_66 = arith.constant 144 : i32
      %add3A_67 = arith.addi %add3A_30, %add3A_66 : i32
      %swap3A_68 = arith.index_cast %add3A_67 : i32 to index
      %swap3A_69 = tpu.vector_load %arg4[%swap3A_68] {strides = array<i32>} : memref<65536xi32, #tpu.memory_space<vmem>>, vector<16xi32>,
      tpu.vector_store %arg4[%swap3A_68], %broadcast_in_dim3A_3 {strides = array<i32>} : memref<65536xi32, #tpu.memory_space<vmem>>, vector<16xi32>,
      %add3A_70 = arith.constant 160 : i32
      %add3A_71 = arith.addi %add3A_30, %add3A_70 : i32
      %swap3A_72 = arith.index_cast %add3A_71 : i32 to index
      %swap3A_73 = tpu.vector_load %arg4[%swap3A_72] {strides = array<i32>} : memref<65536xi32, #tpu.memory_space<vmem>>, vector<16xi32>,
      tpu.vector_store %arg4[%swap3A_72], %broadcast_in_dim3A_3 {strides = array<i32>} : memref<65536xi32, #tpu.memory_space<vmem>>, vector<16xi32>,
      %add3A_74 = arith.constant 176 : i32
      %add3A_75 = arith.addi %add3A_30, %add3A_74 : i32
      %swap3A_76 = arith.index_cast %add3A_75 : i32 to index
      %swap3A_77 = tpu.vector_load %arg4[%swap3A_76] {strides = array<i32>} : memref<65536xi32, #tpu.memory_space<vmem>>, vector<16xi32>,
      tpu.vector_store %arg4[%swap3A_76], %broadcast_in_dim3A_3 {strides = array<i32>} : memref<65536xi32, #tpu.memory_space<vmem>>, vector<16xi32>,
      %add3A_78 = arith.constant 192 : i32
      %add3A_79 = arith.addi %add3A_30, %add3A_78 : i32
      %swap3A_80 = arith.index_cast %add3A_79 : i32 to index
      %swap3A_81 = tpu.vector_load %arg4[%swap3A_80] {strides = array<i32>} : memref<65536xi32, #tpu.memory_space<vmem>>, vector<16xi32>,
      tpu.vector_store %arg4[%swap3A_80], %broadcast_in_dim3A_3 {strides = array<i32>} : memref<65536xi32, #tpu.memory_space<vmem>>, vector<16xi32>,
      %add3A_82 = arith.constant 208 : i32
      %add3A_83 = arith.addi %add3A_30, %add3A_82 : i32
      %swap3A_84 = arith.index_cast %add3A_83 : i32 to index
      %swap3A_85 = tpu.vector_load %arg4[%swap3A_84] {strides = array<i32>} : memref<65536xi32, #tpu.memory_space<vmem>>, vector<16xi32>,
      tpu.vector_store %arg4[%swap3A_84], %broadcast_in_dim3A_3 {strides = array<i32>} : memref<65536xi32, #tpu.memory_space<vmem>>, vector<16xi32>,
      %add3A_86 = arith.constant 224 : i32
      %add3A_87 = arith.addi %add3A_30, %add3A_86 : i32
      %swap3A_88 = arith.index_cast %add3A_87 : i32 to index
      %swap3A_89 = tpu.vector_load %arg4[%swap3A_88] {strides = array<i32>} : memref<65536xi32, #tpu.memory_space<vmem>>, vector<16xi32>,
      tpu.vector_store %arg4[%swap3A_88], %broadcast_in_dim3A_3 {strides = array<i32>} : memref<65536xi32, #tpu.memory_space<vmem>>, vector<16xi32>,
      %add3A_90 = arith.constant 240 : i32
      %add3A_91 = arith.addi %add3A_30, %add3A_90 : i32
      %swap3A_92 = arith.index_cast %add3A_91 : i32 to index
      %swap3A_93 = tpu.vector_load %arg4[%swap3A_92] {strides = array<i32>} : memref<65536xi32, #tpu.memory_space<vmem>>, vector<16xi32>,
      tpu.vector_store %arg4[%swap3A_92], %broadcast_in_dim3A_3 {strides = array<i32>} : memref<65536xi32, #tpu.memory_space<vmem>>, vector<16xi32>,
      %add3A_94 = arith.constant 256 : i32
      %add3A_95 = arith.addi %add3A_30, %add3A_94 : i32
      %swap3A_96 = arith.index_cast %add3A_95 : i32 to index
      %swap3A_97 = tpu.vector_load %arg4[%swap3A_96] {strides = array<i32>} : memref<65536xi32, #tpu.memory_space<vmem>>, vector<16xi32>,
      tpu.vector_store %arg4[%swap3A_96], %broadcast_in_dim3A_3 {strides = array<i32>} : memref<65536xi32, #tpu.memory_space<vmem>>, vector<16xi32>,
      %add3A_98 = arith.constant 272 : i32
      %add3A_99 = arith.addi %add3A_30, %add3A_98 : i32
      %swap3A_100 = arith.index_cast %add3A_99 : i32 to index
      %swap3A_101 = tpu.vector_load %arg4[%swap3A_100] {strides = array<i32>} : memref<65536xi32, #tpu.memory_space<vmem>>, vector<16xi32>,
      tpu.vector_store %arg4[%swap3A_100], %broadcast_in_dim3A_3 {strides = array<i32>} : memref<65536xi32, #tpu.memory_space<vmem>>, vector<16xi32>,
      %add3A_102 = arith.constant 288 : i32
      %add3A_103 = arith.addi %add3A_30, %add3A_102 : i32
      %swap3A_104 = arith.index_cast %add3A_103 : i32 to index
      %swap3A_105 = tpu.vector_load %arg4[%swap3A_104] {strides = array<i32>} : memref<65536xi32, #tpu.memory_space<vmem>>, vector<16xi32>,
      tpu.vector_store %arg4[%swap3A_104], %broadcast_in_dim3A_3 {strides = array<i32>} : memref<65536xi32, #tpu.memory_space<vmem>>, vector<16xi32>,
      %add3A_106 = arith.constant 304 : i32
      %add3A_107 = arith.addi %add3A_30, %add3A_106 : i32
      %swap3A_108 = arith.index_cast %add3A_107 : i32 to index
      %swap3A_109 = tpu.vector_load %arg4[%swap3A_108] {strides = array<i32>} : memref<65536xi32, #tpu.memory_space<vmem>>, vector<16xi32>,
      tpu.vector_store %arg4[%swap3A_108], %broadcast_in_dim3A_3 {strides = array<i32>} : memref<65536xi32, #tpu.memory_space<vmem>>, vector<16xi32>,
      %add3A_110 = arith.constant 320 : i32
      %add3A_111 = arith.addi %add3A_30, %add3A_110 : i32
      %swap3A_112 = arith.index_cast %add3A_111 : i32 to index
      %swap3A_113 = tpu.vector_load %arg4[%swap3A_112] {strides = array<i32>} : memref<65536xi32, #tpu.memory_space<vmem>>, vector<16xi32>,
      tpu.vector_store %arg4[%swap3A_112], %broadcast_in_dim3A_3 {strides = array<i32>} : memref<65536xi32, #tpu.memory_space<vmem>>, vector<16xi32>,
      %add3A_114 = arith.constant 336 : i32
      %add3A_115 = arith.addi %add3A_30, %add3A_114 : i32
      %swap3A_116 = arith.index_cast %add3A_115 : i32 to index
      %swap3A_117 = tpu.vector_load %arg4[%swap3A_116] {strides = array<i32>} : memref<65536xi32, #tpu.memory_space<vmem>>, vector<16xi32>,
      tpu.vector_store %arg4[%swap3A_116], %broadcast_in_dim3A_3 {strides = array<i32>} : memref<65536xi32, #tpu.memory_space<vmem>>, vector<16xi32>,
      %add3A_118 = arith.constant 352 : i32
      %add3A_119 = arith.addi %add3A_30, %add3A_118 : i32
      %swap3A_120 = arith.index_cast %add3A_119 : i32 to index
      %swap3A_121 = tpu.vector_load %arg4[%swap3A_120] {strides = array<i32>} : memref<65536xi32, #tpu.memory_space<vmem>>, vector<16xi32>,
      tpu.vector_store %arg4[%swap3A_120], %broadcast_in_dim3A_3 {strides = array<i32>} : memref<65536xi32, #tpu.memory_space<vmem>>, vector<16xi32>,
      %add3A_122 = arith.constant 368 : i32
      %add3A_123 = arith.addi %add3A_30, %add3A_122 : i32
      %swap3A_124 = arith.index_cast %add3A_123 : i32 to index
      %swap3A_125 = tpu.vector_load %arg4[%swap3A_124] {strides = array<i32>} : memref<65536xi32, #tpu.memory_space<vmem>>, vector<16xi32>,
      tpu.vector_store %arg4[%swap3A_124], %broadcast_in_dim3A_3 {strides = array<i32>} : memref<65536xi32, #tpu.memory_space<vmem>>, vector<16xi32>,
      %add3A_126 = arith.constant 384 : i32
      %add3A_127 = arith.addi %add3A_30, %add3A_126 : i32
      %swap3A_128 = arith.index_cast %add3A_127 : i32 to index
      %swap3A_129 = tpu.vector_load %arg4[%swap3A_128] {strides = array<i32>} : memref<65536xi32, #tpu.memory_space<vmem>>, vector<16xi32>,
      tpu.vector_store %arg4[%swap3A_128], %broadcast_in_dim3A_3 {strides = array<i32>} : memref<65536xi32, #tpu.memory_space<vmem>>, vector<16xi32>,
      %add3A_130 = arith.constant 400 : i32
      %add3A_131 = arith.addi %add3A_30, %add3A_130 : i32
      %swap3A_132 = arith.index_cast %add3A_131 : i32 to index
      %swap3A_133 = tpu.vector_load %arg4[%swap3A_132] {strides = array<i32>} : memref<65536xi32, #tpu.memory_space<vmem>>, vector<16xi32>,
      tpu.vector_store %arg4[%swap3A_132], %broadcast_in_dim3A_3 {strides = array<i32>} : memref<65536xi32, #tpu.memory_space<vmem>>, vector<16xi32>,
      %add3A_134 = arith.constant 416 : i32
      %add3A_135 = arith.addi %add3A_30, %add3A_134 : i32
      %swap3A_136 = arith.index_cast %add3A_135 : i32 to index
      %swap3A_137 = tpu.vector_load %arg4[%swap3A_136] {strides = array<i32>} : memref<65536xi32, #tpu.memory_space<vmem>>, vector<16xi32>,
      tpu.vector_store %arg4[%swap3A_136], %broadcast_in_dim3A_3 {strides = array<i32>} : memref<65536xi32, #tpu.memory_space<vmem>>, vector<16xi32>,
      %add3A_138 = arith.constant 432 : i32
      %add3A_139 = arith.addi %add3A_30, %add3A_138 : i32
      %swap3A_140 = arith.index_cast %add3A_139 : i32 to index
      %swap3A_141 = tpu.vector_load %arg4[%swap3A_140] {strides = array<i32>} : memref<65536xi32, #tpu.memory_space<vmem>>, vector<16xi32>,
      tpu.vector_store %arg4[%swap3A_140], %broadcast_in_dim3A_3 {strides = array<i32>} : memref<65536xi32, #tpu.memory_space<vmem>>, vector<16xi32>,
      %add3A_142 = arith.constant 448 : i32
      %add3A_143 = arith.addi %add3A_30, %add3A_142 : i32
      %swap3A_144 = arith.index_cast %add3A_143 : i32 to index
      %swap3A_145 = tpu.vector_load %arg4[%swap3A_144] {strides = array<i32>} : memref<65536xi32, #tpu.memory_space<vmem>>, vector<16xi32>,
      tpu.vector_store %arg4[%swap3A_144], %broadcast_in_dim3A_3 {strides = array<i32>} : memref<65536xi32, #tpu.memory_space<vmem>>, vector<16xi32>,
      %add3A_146 = arith.constant 464 : i32
      %add3A_147 = arith.addi %add3A_30, %add3A_146 : i32
      %swap3A_148 = arith.index_cast %add3A_147 : i32 to index
      %swap3A_149 = tpu.vector_load %arg4[%swap3A_148] {strides = array<i32>} : memref<65536xi32, #tpu.memory_space<vmem>>, vector<16xi32>,
      tpu.vector_store %arg4[%swap3A_148], %broadcast_in_dim3A_3 {strides = array<i32>} : memref<65536xi32, #tpu.memory_space<vmem>>, vector<16xi32>,
      %add3A_150 = arith.constant 480 : i32
      %add3A_151 = arith.addi %add3A_30, %add3A_150 : i32
      %swap3A_152 = arith.index_cast %add3A_151 : i32 to index
      %swap3A_153 = tpu.vector_load %arg4[%swap3A_152] {strides = array<i32>} : memref<65536xi32, #tpu.memory_space<vmem>>, vector<16xi32>,
      tpu.vector_store %arg4[%swap3A_152], %broadcast_in_dim3A_3 {strides = array<i32>} : memref<65536xi32, #tpu.memory_space<vmem>>, vector<16xi32>,
      %add3A_154 = arith.constant 496 : i32
      %add3A_155 = arith.addi %add3A_30, %add3A_154 : i32
      %swap3A_156 = arith.index_cast %add3A_155 : i32 to index
      %swap3A_157 = tpu.vector_load %arg4[%swap3A_156] {strides = array<i32>} : memref<65536xi32, #tpu.memory_space<vmem>>, vector<16xi32>,
      tpu.vector_store %arg4[%swap3A_156], %broadcast_in_dim3A_3 {strides = array<i32>} : memref<65536xi32, #tpu.memory_space<vmem>>, vector<16xi32>,
    }
    %scan3A_20 = arith.constant 128 : i32
    %scan3A_21 = arith.constant 0 : i32
    %scan3A_22 = arith.constant 11 : i32
    %scan3A_23 = arith.addi %scan3A_21, %scan3A_22 : i32
    %scan3A_24 = arith.constant 1 : i32
    scf.for %scan3A_26 = %scan3A_21 to %scan3A_23 step %scan3A_24  : i32 {
      %mul3A_27 = arith.constant 3 : i32
      %mul3A_28 = arith.muli %scan3A_26, %mul3A_27 : i32
      %add3A_29 = arith.constant 0 : i32
      %add3A_30 = arith.addi %add3A_29, %mul3A_28 : i32
      %add3A_31 = arith.constant 0 : i32
      %add3A_32 = arith.addi %add3A_30, %add3A_31 : i32
      %lt3A = arith.constant 32 : i32
      %lt3A_33 = arith.cmpi slt, %add3A_32, %lt3A : i32
      %convert_element_type3A = arith.extui %lt3A_33 : i1 to i32
      %cond3A = arith.constant 0 : i32
      %cond3A_34 = arith.cmpi ne, %convert_element_type3A, %cond3A : i32
      scf.if %cond3A_34 {
        %dma_wait3A = tpu.memref_slice %arg2[%mul3A_2] : memref<16777216xi32, #tpu.memory_space<hbm>> -> memref<16384xi32, #tpu.memory_space<hbm>>
        %dma_wait3A_49 = tpu.memref_slice %arg2[%mul3A_2] : memref<16777216xi32, #tpu.memory_space<hbm>> -> memref<16384xi32, #tpu.memory_space<hbm>>
        tpu.wait_dma2 semaphore(%arg8 : memref<!tpu.dma_semaphore, #tpu.memory_space<semaphore_mem>>) src(%dma_wait3A_49 : memref<16384xi32, #tpu.memory_space<hbm>>) dst(%arg5 : memref<16384xi32, #tpu.memory_space<vmem>>)
        %parallel_loop3A = arith.constant 0 : i32
        %parallel_loop3A_50 = arith.constant 16384 : i32
        %parallel_loop3A_51 = arith.constant 16 : i32
        scf.for %parallel_loop3A_61 = %parallel_loop3A to %parallel_loop3A_50 step %parallel_loop3A_51  : i32 {
          %parallel_loop3A_62 = arith.index_cast %parallel_loop3A_61 : i32 to index
          %parallel_loop3A_63 = tpu.vector_load %arg5[%parallel_loop3A_62] {strides = array<i32>} : memref<16384xi32, #tpu.memory_space<vmem>>, vector<16xi32>,
          tpu.vector_store_idx %arg4[%parallel_loop3A_63], %broadcast_in_dim3A_5 {add = true} : memref<65536xi32, #tpu.memory_space<vmem>>[vector<16xi32>], vector<16xi32>,
        } {sc.loop_unroll_factor = 16 : i64, sc.parallel_access}
        %add3A_52 = arith.constant 0 : i32
        %add3A_53 = arith.addi %add3A_30, %add3A_52 : i32
        %add3A_54 = arith.constant 3 : i32
        %add3A_55 = arith.addi %add3A_53, %add3A_54 : i32
        %lt3A_56 = arith.constant 32 : i32
        %lt3A_57 = arith.cmpi slt, %add3A_55, %lt3A_56 : i32
        %convert_element_type3A_58 = arith.extui %lt3A_57 : i1 to i32
        %cond3A_59 = arith.constant 0 : i32
        %cond3A_60 = arith.cmpi ne, %convert_element_type3A_58, %cond3A_59 : i32
        scf.if %cond3A_60 {
          %add3A_61 = arith.constant 0 : i32
          %add3A_62 = arith.addi %add3A_30, %add3A_61 : i32
          %add3A_63 = arith.constant 3 : i32
          %add3A_64 = arith.addi %add3A_62, %add3A_63 : i32
          %mul3A_65 = arith.constant 16384 : i32
          %mul3A_66 = arith.muli %add3A_64, %mul3A_65 : i32
          %add3A_67 = arith.addi %mul3A_2, %mul3A_66 : i32
          %dma_start3A_68 = tpu.memref_slice %arg2[%add3A_67] : memref<16777216xi32, #tpu.memory_space<hbm>> -> memref<16384xi32, #tpu.memory_space<hbm>>
          %dma_start3A_69 = tpu.memref_slice %arg2[%add3A_67] : memref<16777216xi32, #tpu.memory_space<hbm>> -> memref<16384xi32, #tpu.memory_space<hbm>>
          tpu.enqueue_dma source(%dma_start3A_69 : memref<16384xi32, #tpu.memory_space<hbm>>) target(%arg5 : memref<16384xi32, #tpu.memory_space<vmem>>) target_semaphore(%arg8 : memref<!tpu.dma_semaphore, #tpu.memory_space<semaphore_mem>>)
        } else {
        }
      } else {
      }
      %add3A_35 = arith.constant 1 : i32
      %add3A_36 = arith.addi %add3A_30, %add3A_35 : i32
      %lt3A_37 = arith.constant 32 : i32
      %lt3A_38 = arith.cmpi slt, %add3A_36, %lt3A_37 : i32
      %convert_element_type3A_39 = arith.extui %lt3A_38 : i1 to i32
      %cond3A_40 = arith.constant 0 : i32
      %cond3A_41 = arith.cmpi ne, %convert_element_type3A_39, %cond3A_40 : i32
      scf.if %cond3A_41 {
        %dma_wait3A = tpu.memref_slice %arg2[%mul3A_2] : memref<16777216xi32, #tpu.memory_space<hbm>> -> memref<16384xi32, #tpu.memory_space<hbm>>
        %dma_wait3A_49 = tpu.memref_slice %arg2[%mul3A_2] : memref<16777216xi32, #tpu.memory_space<hbm>> -> memref<16384xi32, #tpu.memory_space<hbm>>
        tpu.wait_dma2 semaphore(%arg9 : memref<!tpu.dma_semaphore, #tpu.memory_space<semaphore_mem>>) src(%dma_wait3A_49 : memref<16384xi32, #tpu.memory_space<hbm>>) dst(%arg6 : memref<16384xi32, #tpu.memory_space<vmem>>)
        %parallel_loop3A = arith.constant 0 : i32
        %parallel_loop3A_50 = arith.constant 16384 : i32
        %parallel_loop3A_51 = arith.constant 16 : i32
        scf.for %parallel_loop3A_61 = %parallel_loop3A to %parallel_loop3A_50 step %parallel_loop3A_51  : i32 {
          %parallel_loop3A_62 = arith.index_cast %parallel_loop3A_61 : i32 to index
          %parallel_loop3A_63 = tpu.vector_load %arg6[%parallel_loop3A_62] {strides = array<i32>} : memref<16384xi32, #tpu.memory_space<vmem>>, vector<16xi32>,
          tpu.vector_store_idx %arg4[%parallel_loop3A_63], %broadcast_in_dim3A_5 {add = true} : memref<65536xi32, #tpu.memory_space<vmem>>[vector<16xi32>], vector<16xi32>,
        } {sc.loop_unroll_factor = 16 : i64, sc.parallel_access}
        %add3A_52 = arith.constant 1 : i32
        %add3A_53 = arith.addi %add3A_30, %add3A_52 : i32
        %add3A_54 = arith.constant 3 : i32
        %add3A_55 = arith.addi %add3A_53, %add3A_54 : i32
        %lt3A_56 = arith.constant 32 : i32
        %lt3A_57 = arith.cmpi slt, %add3A_55, %lt3A_56 : i32
        %convert_element_type3A_58 = arith.extui %lt3A_57 : i1 to i32
        %cond3A_59 = arith.constant 0 : i32
        %cond3A_60 = arith.cmpi ne, %convert_element_type3A_58, %cond3A_59 : i32
        scf.if %cond3A_60 {
          %add3A_61 = arith.constant 1 : i32
          %add3A_62 = arith.addi %add3A_30, %add3A_61 : i32
          %add3A_63 = arith.constant 3 : i32
          %add3A_64 = arith.addi %add3A_62, %add3A_63 : i32
          %mul3A_65 = arith.constant 16384 : i32
          %mul3A_66 = arith.muli %add3A_64, %mul3A_65 : i32
          %add3A_67 = arith.addi %mul3A_2, %mul3A_66 : i32
          %dma_start3A_68 = tpu.memref_slice %arg2[%add3A_67] : memref<16777216xi32, #tpu.memory_space<hbm>> -> memref<16384xi32, #tpu.memory_space<hbm>>
          %dma_start3A_69 = tpu.memref_slice %arg2[%add3A_67] : memref<16777216xi32, #tpu.memory_space<hbm>> -> memref<16384xi32, #tpu.memory_space<hbm>>
          tpu.enqueue_dma source(%dma_start3A_69 : memref<16384xi32, #tpu.memory_space<hbm>>) target(%arg6 : memref<16384xi32, #tpu.memory_space<vmem>>) target_semaphore(%arg9 : memref<!tpu.dma_semaphore, #tpu.memory_space<semaphore_mem>>)
        } else {
        }
      } else {
      }
      %add3A_42 = arith.constant 2 : i32
      %add3A_43 = arith.addi %add3A_30, %add3A_42 : i32
      %lt3A_44 = arith.constant 32 : i32
      %lt3A_45 = arith.cmpi slt, %add3A_43, %lt3A_44 : i32
      %convert_element_type3A_46 = arith.extui %lt3A_45 : i1 to i32
      %cond3A_47 = arith.constant 0 : i32
      %cond3A_48 = arith.cmpi ne, %convert_element_type3A_46, %cond3A_47 : i32
      scf.if %cond3A_48 {
        %dma_wait3A = tpu.memref_slice %arg2[%mul3A_2] : memref<16777216xi32, #tpu.memory_space<hbm>> -> memref<16384xi32, #tpu.memory_space<hbm>>
        %dma_wait3A_49 = tpu.memref_slice %arg2[%mul3A_2] : memref<16777216xi32, #tpu.memory_space<hbm>> -> memref<16384xi32, #tpu.memory_space<hbm>>
        tpu.wait_dma2 semaphore(%arg10 : memref<!tpu.dma_semaphore, #tpu.memory_space<semaphore_mem>>) src(%dma_wait3A_49 : memref<16384xi32, #tpu.memory_space<hbm>>) dst(%arg7 : memref<16384xi32, #tpu.memory_space<vmem>>)
        %parallel_loop3A = arith.constant 0 : i32
        %parallel_loop3A_50 = arith.constant 16384 : i32
        %parallel_loop3A_51 = arith.constant 16 : i32
        scf.for %parallel_loop3A_61 = %parallel_loop3A to %parallel_loop3A_50 step %parallel_loop3A_51  : i32 {
          %parallel_loop3A_62 = arith.index_cast %parallel_loop3A_61 : i32 to index
          %parallel_loop3A_63 = tpu.vector_load %arg7[%parallel_loop3A_62] {strides = array<i32>} : memref<16384xi32, #tpu.memory_space<vmem>>, vector<16xi32>,
          tpu.vector_store_idx %arg4[%parallel_loop3A_63], %broadcast_in_dim3A_5 {add = true} : memref<65536xi32, #tpu.memory_space<vmem>>[vector<16xi32>], vector<16xi32>,
        } {sc.loop_unroll_factor = 16 : i64, sc.parallel_access}
        %add3A_52 = arith.constant 2 : i32
        %add3A_53 = arith.addi %add3A_30, %add3A_52 : i32
        %add3A_54 = arith.constant 3 : i32
        %add3A_55 = arith.addi %add3A_53, %add3A_54 : i32
        %lt3A_56 = arith.constant 32 : i32
        %lt3A_57 = arith.cmpi slt, %add3A_55, %lt3A_56 : i32
        %convert_element_type3A_58 = arith.extui %lt3A_57 : i1 to i32
        %cond3A_59 = arith.constant 0 : i32
        %cond3A_60 = arith.cmpi ne, %convert_element_type3A_58, %cond3A_59 : i32
        scf.if %cond3A_60 {
          %add3A_61 = arith.constant 2 : i32
          %add3A_62 = arith.addi %add3A_30, %add3A_61 : i32
          %add3A_63 = arith.constant 3 : i32
          %add3A_64 = arith.addi %add3A_62, %add3A_63 : i32
          %mul3A_65 = arith.constant 16384 : i32
          %mul3A_66 = arith.muli %add3A_64, %mul3A_65 : i32
          %add3A_67 = arith.addi %mul3A_2, %mul3A_66 : i32
          %dma_start3A_68 = tpu.memref_slice %arg2[%add3A_67] : memref<16777216xi32, #tpu.memory_space<hbm>> -> memref<16384xi32, #tpu.memory_space<hbm>>
          %dma_start3A_69 = tpu.memref_slice %arg2[%add3A_67] : memref<16777216xi32, #tpu.memory_space<hbm>> -> memref<16384xi32, #tpu.memory_space<hbm>>
          tpu.enqueue_dma source(%dma_start3A_69 : memref<16384xi32, #tpu.memory_space<hbm>>) target(%arg7 : memref<16384xi32, #tpu.memory_space<vmem>>) target_semaphore(%arg10 : memref<!tpu.dma_semaphore, #tpu.memory_space<semaphore_mem>>)
        } else {
        }
      } else {
      }
    }
    %scan3A_25 = arith.constant 11 : i32
    "tpu.region"() ({
      %run_scoped3A = tpu.sem_alloc : memref<!tpu.dma_semaphore, #tpu.memory_space<semaphore_mem>>
      %dma_start3A_26 = arith.constant 0 : i32
      %dma_start3A_27 = tpu.memref_slice %arg3[%add3A, %dma_start3A_26] : memref<32x65536xi32, #tpu.memory_space<hbm>> -> memref<1x65536xi32, #tpu.memory_space<hbm>>
      %dma_start3A_28 = tpu.memref_squeeze %dma_start3A_27 : memref<1x65536xi32, #tpu.memory_space<hbm>> -> memref<65536xi32, #tpu.memory_space<hbm>>
      %dma_start3A_29 = arith.constant 0 : i32
      %dma_start3A_30 = tpu.memref_slice %arg3[%add3A, %dma_start3A_29] : memref<32x65536xi32, #tpu.memory_space<hbm>> -> memref<1x65536xi32, #tpu.memory_space<hbm>>
      %dma_start3A_31 = tpu.memref_squeeze %dma_start3A_30 : memref<1x65536xi32, #tpu.memory_space<hbm>> -> memref<65536xi32, #tpu.memory_space<hbm>>
      tpu.enqueue_dma source(%arg4 : memref<65536xi32, #tpu.memory_space<vmem>>) target(%dma_start3A_31 : memref<65536xi32, #tpu.memory_space<hbm>>) target_semaphore(%run_scoped3A : memref<!tpu.dma_semaphore, #tpu.memory_space<semaphore_mem>>)
      %dma_wait3A = arith.constant 0 : i32
      %dma_wait3A_32 = tpu.memref_slice %arg3[%add3A, %dma_wait3A] : memref<32x65536xi32, #tpu.memory_space<hbm>> -> memref<1x65536xi32, #tpu.memory_space<hbm>>
      %dma_wait3A_33 = tpu.memref_squeeze %dma_wait3A_32 : memref<1x65536xi32, #tpu.memory_space<hbm>> -> memref<65536xi32, #tpu.memory_space<hbm>>
      %dma_wait3A_34 = arith.constant 0 : i32
      %dma_wait3A_35 = tpu.memref_slice %arg3[%add3A, %dma_wait3A_34] : memref<32x65536xi32, #tpu.memory_space<hbm>> -> memref<1x65536xi32, #tpu.memory_space<hbm>>
      %dma_wait3A_36 = tpu.memref_squeeze %dma_wait3A_35 : memref<1x65536xi32, #tpu.memory_space<hbm>> -> memref<65536xi32, #tpu.memory_space<hbm>>
      tpu.wait_dma2 semaphore(%run_scoped3A : memref<!tpu.dma_semaphore, #tpu.memory_space<semaphore_mem>>) src(%arg4 : memref<65536xi32, #tpu.memory_space<vmem>>) dst(%dma_wait3A_36 : memref<65536xi32, #tpu.memory_space<hbm>>)
      tpu.yield
    }) : () -> ()
    return
  }
}

module attributes {stable_mosaic.version = 14 : i64} {
  func.func @_reduce_body(%arg0: i32, %arg1: memref<32x32768xi32, #tpu.memory_space<vmem>>, %arg2: memref<32768xi32, #tpu.memory_space<vmem>>) attributes {dimension_semantics = [#tpu.dimension_semantics<arbitrary>], iteration_bounds = array<i64: 2>, scalar_prefetch = 0 : i64, scratch_operands = 0 : i64, tpu.core_type = #tpu.core_type<tc>, window_params = [{transform_indices = @transform_0, window_bounds = array<i64: 32, 32768>}, {transform_indices = @transform_1, window_bounds = array<i64: 32768>}]} {
    %get3A = arith.constant 0 : index
    %get3A_0 = arith.constant 0 : index
    %get3A_1 = vector.load %arg1[%get3A, %get3A_0] : memref<32x32768xi32, #tpu.memory_space<vmem>>, vector<32x32768xi32>
    %slice3A = vector.extract_strided_slice %get3A_1 {offsets = [0, 0], sizes = [8, 32768], strides = [1, 1]} : vector<32x32768xi32> to vector<8x32768xi32>
    %slice3A_2 = vector.extract_strided_slice %get3A_1 {offsets = [8, 0], sizes = [8, 32768], strides = [1, 1]} : vector<32x32768xi32> to vector<8x32768xi32>
    %add3A = arith.addi %slice3A, %slice3A_2 : vector<8x32768xi32>
    %slice3A_3 = vector.extract_strided_slice %get3A_1 {offsets = [16, 0], sizes = [8, 32768], strides = [1, 1]} : vector<32x32768xi32> to vector<8x32768xi32>
    %add3A_4 = arith.addi %add3A, %slice3A_3 : vector<8x32768xi32>
    %slice3A_5 = vector.extract_strided_slice %get3A_1 {offsets = [24, 0], sizes = [8, 32768], strides = [1, 1]} : vector<32x32768xi32> to vector<8x32768xi32>
    %add3A_6 = arith.addi %add3A_4, %slice3A_5 : vector<8x32768xi32>
    %reduce_sum3A = arith.constant dense<0> : vector<32768xi32>
    %reduce_sum3A_7 = vector.multi_reduction <add>, %add3A_6, %reduce_sum3A [0] : vector<8x32768xi32> to vector<32768xi32>
    %swap3A = arith.constant 0 : index
    %swap3A_8 = vector.load %arg2[%swap3A] : memref<32768xi32, #tpu.memory_space<vmem>>, vector<32768xi32>
    tpu.vector_store %arg2[%swap3A], %reduce_sum3A_7 {strides = array<i32>} : memref<32768xi32, #tpu.memory_space<vmem>>, vector<32768xi32>,
    return
  }
  func.func @transform_0(%arg0: i32) -> (i32, i32) {
    %c0_i32 = arith.constant 0 : i32
    %c0_i32_0 = arith.constant 0 : i32
    return %c0_i32, %arg0 : i32, i32
  }
  func.func @transform_1(%arg0: i32) -> i32 {
    %c0_i32 = arith.constant 0 : i32
    return %arg0 : i32
  }
}

</mosaic_0001>

<sc_bundles>
// kernel: kernel.4.cloned.1.call-start
scs
__scs_entry_jumppad:
0x0: {  	(pc) =	sbr.rel $0x88, $3  }
0x1: {  	(tag) =	ssettag $0x0;
	lr =	simm.s32 $0x1  }
0x2: {  	[smem:$0x3FA0] =	sst lr;
	_ =	strace $0xD0000000  }
0x3: {  	_ = 	snop  }
0x4: {  	_ = 	snop  }
0x5: {  	_ = 	snop  }
0x6: {  	_ = 	snop  }
0x7: {  	_ = 	snop  }
__scs_overlays_trampoline_lowered:
0x8: {  	[smem:$0x3FAF] =	sst s0  }
0x9: {  	[smem:$0x3FB0] =	sst s1  }
0xa: {  	[smem:$0x3FB1] =	sst s2  }
0xb: {  	[smem:$0x3FB2] =	sst s3  }
0xc: {  	[smem:$0x3FB3] =	sst s4  }
0xd: {  	[smem:$0x3FB4] =	sst s5  }
0xe: {  	[smem:$0x3FB5] =	sst s6  }
0xf: {  	[smem:$0x3FB6] =	sst s7  }
0x10: {  	[smem:$0x3FB7] =	sst s8  }
0x11: {  	[smem:$0x3FB8] =	sst s9;
	s0 =	simm.s32 @!p0 $0x0  }
0x12: {  	s1 =	sld [smem:$0x3F9E];
	s0 =	simm.s32 @p0 $0x1  }
0x13: {  	[smem:$0x3FB9] =	sst s0;
	s0 =	simm.s32 @!p1 $0x0  }
0x14: {  	s2 =	sld [smem:$0x3F9D];
	s0 =	simm.s32 @p1 $0x1  }
0x15: {  	[smem:$0x3FBA] =	sst s0;
	s0 =	simm.s32 @!p2 $0x0  }
0x16: {  	s3 =	sld [smem:$0x3FDB];
	s0 =	simm.s32 @p2 $0x1  }
0x17: {  	s4 =	simm.s32 $0x1BF5;
	[smem:$0x3FBC] =	sst s0  }
0x18: {  	s0 =	sld [smem:$0x3F9F];
	_ =	swait.ge [sflag:s4], $0x0  }
0x19: {  	s7 =	sld [smem:$0x3FA0]  }
0x1a: {  	s8 =	sadd.s32 $0xFFFFE003, lr  }
0x1b: {  	s9 =	sadd.s32 $0xFFFFFEF7, lr;
	s5 =	simm.s32 $0xFFFFFFFF;
	p2 =	slt.u32 s8, $0xFFFFF086  }
0x1c: {  	p1 =	slt.u32 s9, $0xF7A;
	s5 =	simm.s32 @!p2 $0x0  }
0x1d: {  	s5 =	simm.s32 @p1 $0x1;
	p0 =	seq.s32 s7, s2  }
0x1e: {  	s7 =	smul.u32 @!p0 $0xF7A, s2;
	p2 =	seq.s32 @!p0 s5, $0x0  }
0x1f: {  	s9 =	smul.u32 $0xF7A, s1;
	s8 =	simm.s32 @!p0 $0x1BF5;
	p2 =	por !p2, p0  }
0x20: {  	[sflag:s8] =	ssyncset.s32 @!p0 $0xFFFFF086;
	s6 =	sadd.s32 @!p0 s3, s7;
	s7 =	simm.s32 @!p0 $0x108  }
0x21: {  	s3 =	sadd.s32 s3, s9;
	s6 =	sadd.s32 @!p0 $0x88, s6;
	s7 =	simm.s32 @p2 $0x1082  }
0x22: {  	[simem:s7], [sflag:s8] =	dma.local @!p0 [hbm:s6], $0xF7A  }
0x23: {  	s9 =	sor.u32 $0xD0000000, s2;
	s6 =	simm.s32 $0x108;
	_ =	swait.ge @!p0 [sflag:s8], $0x0  }
0x24: {  	s3 =	sadd.s32 $0x88, s3;
	s6 =	simm.s32 @!p1 $0x1082;
	[sflag:s4] =	ssyncset.s32 $0xFFFFF086  }
0x25: {  	[simem:s6], [sflag:s4] =	dma.local [hbm:s3], $0xF7A  }
0x26: {  	[smem:$0x3FA0] =	sst s1;
	(tag) =	ssettag s2;
	_ =	strace s9  }
0x27: {  	s1 =	sld [smem:$0x3FB0]  }
0x28: {  	s2 =	sld [smem:$0x3FB1]  }
0x29: {  	s4 =	sld [smem:$0x3FB3]  }
0x2a: {  	p0 =	seq.s32 s5, $0x0;
	s5 =	sld [smem:$0x3FB4]  }
0x2b: {  	s6 =	sld [smem:$0x3FB5]  }
0x2c: {  	s7 =	sld [smem:$0x3FB6]  }
0x2d: {  	s3 =	simm.s32 $0x108;
	s8 =	sld [smem:$0x3FB7]  }
0x2e: {  	s3 =	simm.s32 @!p0 $0x1082;
	s9 =	sld [smem:$0x3FB8]  }
0x2f: {  	lr =	sadd.s32 s0, s3;
	s0 =	sld [smem:$0x3FAF]  }
0x30: {  	s3 =	sld [smem:$0x3FB2]  }
0x31: {  	[smem:$0x3FBB] =	sst s10  }
0x32: {  	s10 =	sld [smem:$0x3FB9];
	_ =	sdelay $0x3  }
0x33: {  	p0 =	seq.s32 s10, $0x1;
	s10 =	sld [smem:$0x3FBB];
	_ =	sdelay $0x3  }
0x34: {  	[smem:$0x3FBB] =	sst s10  }
0x35: {  	s10 =	sld [smem:$0x3FBA];
	_ =	sdelay $0x3  }
0x36: {  	p1 =	seq.s32 s10, $0x1;
	s10 =	sld [smem:$0x3FBB];
	_ =	sdelay $0x3  }
0x37: {  	[smem:$0x3FBB] =	sst s10  }
0x38: {  	s10 =	sld [smem:$0x3FBC]  }
0x39: {  	_ = 	snop;
	(pc) =	sbr.ind lr, $3  }
0x3a: {  	_ = 	snop  }
0x3b: {  	_ = 	snop  }
0x3c: {  	p2 =	seq.s32 s10, $0x1;
	s10 =	sld [smem:$0x3FBB]  }
0x3d: {  	_ =	shalt  }
0x3e: {  	_ =	shalt  }
0x3f: {  	_ =	shalt  }
0x40: {  	_ =	shalt  }
0x41: {  	_ =	shalt  }
0x42: {  	_ =	shalt  }
0x43: {  	_ =	shalt  }
0x44: {  	_ =	shalt  }
0x45: {  	_ =	shalt  }
0x46: {  	_ =	shalt  }
0x47: {  	_ =	shalt  }
0x48: {  	_ =	shalt  }
0x49: {  	_ =	shalt  }
0x4a: {  	_ =	shalt  }
0x4b: {  	_ =	shalt  }
0x4c: {  	_ =	shalt  }
0x4d: {  	_ =	shalt  }
0x4e: {  	_ =	shalt  }
0x4f: {  	_ =	shalt  }
0x50: {  	_ =	shalt  }
0x51: {  	_ =	shalt  }
0x52: {  	_ =	shalt  }
0x53: {  	_ =	shalt  }
0x54: {  	_ =	shalt  }
0x55: {  	_ =	shalt  }
0x56: {  	_ =	shalt  }
0x57: {  	_ =	shalt  }
0x58: {  	_ =	shalt  }
0x59: {  	_ =	shalt  }
0x5a: {  	_ =	shalt  }
0x5b: {  	_ =	shalt  }
0x5c: {  	_ =	shalt  }
0x5d: {  	_ =	shalt  }
0x5e: {  	_ =	shalt  }
0x5f: {  	_ =	shalt  }
0x60: {  	_ =	shalt  }
0x61: {  	_ =	shalt  }
0x62: {  	_ =	shalt  }
0x63: {  	_ =	shalt  }
0x64: {  	_ =	shalt  }
0x65: {  	_ =	shalt  }
0x66: {  	_ =	shalt  }
0x67: {  	_ =	shalt  }
0x68: {  	_ =	shalt  }
0x69: {  	_ =	shalt  }
0x6a: {  	_ =	shalt  }
0x6b: {  	_ =	shalt  }
0x6c: {  	_ =	shalt  }
0x6d: {  	_ =	shalt  }
0x6e: {  	_ =	shalt  }
0x6f: {  	_ =	shalt  }
0x70: {  	_ =	shalt  }
0x71: {  	_ =	shalt  }
0x72: {  	_ =	shalt  }
0x73: {  	_ =	shalt  }
0x74: {  	_ =	shalt  }
0x75: {  	_ =	shalt  }
0x76: {  	_ =	shalt  }
0x77: {  	_ =	shalt  }
0x78: {  	_ =	shalt  }
0x79: {  	_ =	shalt  }
0x7a: {  	_ =	shalt  }
0x7b: {  	_ =	shalt  }
0x7c: {  	_ =	shalt  }
0x7d: {  	_ =	shalt  }
0x7e: {  	_ =	shalt  }
0x7f: {  	_ =	shalt  }
0x80: {  	_ =	shalt  }
0x81: {  	_ =	shalt  }
0x82: {  	_ =	shalt  }
0x83: {  	_ =	shalt  }
0x84: {  	_ =	shalt  }
0x85: {  	_ =	shalt  }
0x86: {  	_ =	shalt  }
0x87: {  	_ =	shalt  }
.Lfunc_end0:
.L_simem_size_0:
called_computation_lowered:
.L_overlay_start_0:
0x88: {  	s2 =	sld [smem:$0x3FD9]  }
0x89: {  	s3 =	sld [smem:$0x3FFE];
	_ =	sdelay $0x1  }
0x8a: {  	s1 =	srdreg.scid  }
0x8b: {  	s0 =	sand.u32 $0x1, s1  }
0x8c: {  	s17 =	sshll.u32 s0, $0xA;
	s2 =	sadd.s32 s3, s2  }
0x8d: {  	s2 =	sadd.s32 s2, s17  }
0x8e: {  	[smem:$0x3FC7] =	sst s2  }
0x8f: {  	_ = 	snop  }
0x90: {  	s2 =	sld [smem:$0x3FC9];
	(tm) =	ssettm $0x1  }
0x91: {  	s18 =	sld [smem:$0x3FFB];
	_ =	sdelay $0x3  }
0x92: {  	_ =	strace s18  }
0x93: {  	s3 =	sld [smem:$0x3FFC];
	_ =	sdelay $0x3  }
0x94: {  	_ =	strace s3  }
0x95: {  	s3 =	sld [smem:$0x3FFD];
	_ =	sdelay $0x3  }
0x96: {  	_ =	strace s3  }
0x97: {  	_ =	strace $0x8FFFFFFF  }
0x98: {  	s19 =	sld [smem:$0x3FDB];
	_ =	sdelay $0x1  }
0x99: {  	s4 =	simm.s32 $_scs_section_size  }
0x9a: {  	s5 =	simm.s32 $_size__tile_overlayer_lowered;
	s6 =	simm.s32 $_tile_overlayer_lowered  }
0x9b: {  	s22 =	simm.s32 $0x1BFF;
	s21 =	sshll.u32 s6, $0x1;
	s3 =	sadd.s32 s4, s19  }
0x9c: {  	s7 =	simm.s32 $0x0;
	s20 =	sshll.u32 s5, $0x1;
	s5 =	sadd.s32 s21, s3  }
0x9d: {  	[timem:s7], [sflag:s22] =	dma.local [hbm:s5], s20  }
0x9e: {  	_ =	swait.ge [sflag:s22], s20  }
0x9f: {  	s4 =	ssub.s32 $0x0, s20;
	[sflag:s22] =	ssyncset.done $0x0  }
0xa0: {  	[sflag:s22] =	ssyncadd.s32 s4;
	_ =	sdelay $0x1  }
0xa1: {  	s23 =	simm.s32 $0x1B8B  }
0xa2: {  	_ =	swait.ge [sflag:s23], $0x1  }
0xa3: {  	[sflag:s23] =	ssyncset.done $0x0  }
0xa4: {  	s25 =	simm.s32 $0x1B8E;
	s24 =	sld [smem:$0x3FFE];
	[sflag:s23] =	ssyncadd.s32 $0xFFFFFFFF  }
0xa5: {  	s26 =	simm.s32 $execute0_lowered;
	[smem:$0x3FD2] =	sst s25  }
0xa6: {  	s5 =	sshll.u32 s26, $0x1;
	_ =	strace $0x80000046;
	[dreg:$0x1] =	wrdreg $0xFFFFFFFF  }
0xa7: {  	s28 =	simm.s32 $_size_execute0_lowered;
	s3 =	sadd.s32 s3, s5;
	[dreg:$0x0] =	wrdreg $0x0  }
0xa8: {  	s5 =	sshll.u32 s28, $0x1;
	[dreg:$0x2] =	wrdreg s3  }
0xa9: {  	[dreg:$0x3] =	wrdreg s5  }
0xaa: {  	[dreg:$0x4] =	wrdreg $0xC0  }
0xab: {  	_ =	task [dreg:s7], $0x5FFFF  }
0xac: {  	[dreg:$0x1] =	wrdreg $0xFFFFFFFF  }
0xad: {  	[dreg:$0x0] =	wrdreg $0x60  }
0xae: {  	[dreg:$0x2] =	wrdreg s2  }
0xaf: {  	[dreg:$0x3] =	wrdreg s24  }
0xb0: {  	[dreg:$0x4] =	wrdreg $0x9  }
0xb1: {  	_ =	task.clear_ibuf [dreg:s7], $0x5FFFF;
	_ =	strace $0x90000046  }
0xb2: {  	s29 =	simm.s32 $0x9;
	_ =	strace $0x80000048  }
0xb3: {  	_ =	swait.ge [sflag:s29], $0x1  }
0xb4: {  	[sflag:s29] =	ssyncadd.s32 $0xFFFFFFFF  }
0xb5: {  	_ =	strace $0x90000048  }
0xb6: {  	_ =	sfence  }
0xb7: {  	s30 =	sld [smem:$0x0];
	_ =	sdelay $0x2  }
0xb8: {  	s31 =	sshll.u32 s1, $0xD;
	s1 =	sshrl.u32 s1, $0x2  }
0xb9: {  	s3 =	sand.u32 $0x4000, s31;
	s1 =	sadd.s32 s1, s30  }
0xba: {  	s0 =	sor.u32 s3, s0;
	s1 =	sshll.u32 s1, $0x11  }
0xbb: {  	s0 =	sor.u32 s1, s0  }
0xbc: {  	s0 =	sadd.s32 $0x8F2B, s0  }
0xbd: {  	[sflag:s0] =	ssyncadd.remote.s32 $0x1  }
0xbe: {  	_ =	sfence.sel $0xFFFF  }
0xbf: {  	[dreg:$0x0] =	wrdreg $0xFFFFFFFF;
	(pc) =	sbr.abs _section_cstart, $3  }
0xc0: {  	[dreg:$0x1] =	wrdreg $0xFFFFFFFF  }
0xc1: {  	_ =	task.clear_ibuf [dreg:s7], $0x2FFFF;
	_ =	strace $0x9FFFFFFF  }
0xc2: {  	(tm) =	ssettm $0x7FFFFFFF  }
0xc3: {  	_ =	shalt  }
tec
execute0_lowered:
.L_overlay_start_1:
0x0: {  	(tag) =	ssettag $0x1  }
0x1: {  	s1 =	srdreg.scid;
	s2 =	rddreg [dreg:$0x0]  }
0x2: {  	s0 =	stileid.u32;
	s6 =	rddreg [dreg:$0x1]  }
0x3: {  	s3 =	simm.s32 $0x0;
	s12 =	simm.s32 $0x10000;
	s13 =	simm.s32 $0x14000  }
0x4: {  	s14 =	simm.s32 $0x18000;
	s15 =	simm.s32 $0x1;
	s16 =	simm.s32 $0x2  }
0x5: {  	s17 =	simm.s32 $0x80;
	s18 =	simm.s32 $0x400;
	s19 =	simm.s32 $0x4  }
0x6: {  	s20 =	simm.s32 $0x3;
	s4 =	sand.u32 $0x1, s1;
	s1 =	rddreg [dreg:$0x2]  }
0x7: {  	s21 =	simm.s32 $0x0;
	s30 =	sshll.u32 s0, $0x1;
	[smem:$0x7FF] =	sst s3  }
0x8: {  	s5 =	sor.u32 s4, s30;
	s4 =	ssub.s32 $0x2, s4;
	_ =	strace $0x80000047  }
0x9: {  	s7 =	sshll.u32 s5, $0x10;
	s8 =	sshll.u32 s5, $0x7;
	s9 =	sshrl.u32 s4, $0x1  }
.Ltmp0:
0xa: {  	s31 =	sshll.u32 s5, $0x13;
	s8 =	sor.u32 s8, s7;
	(pc) =	sbr.rel .LBB2_1-.Ltmp0, $4  }
0xb: {  	s11 =	ssub.s32 s4, s9;
	s4 =	sadd.s32 s2, s7;
	s8 =	sand.u32 $0x180380, s8  }
0xc: {  	s7 =	sor.u32 $0xC000, s31;
	s9 =	sor.u32 $0x14000, s31;
	s8 =	sshrl.u32 s8, $0x3  }
0xd: {  	s5 =	sadd.s32 $0x800, s4;
	s11 =	smax.u32 s11, $0x1;
	s10 =	sadd.s32 s8, s6  }
0xe: {  	v0 =	vimm.s32 $0x0;
	v1 =	vimm.s32 $0x1;
	s6 =	sadd.s32 $0x1000, s4;
	s8 =	sor.u32 $0x10000, s31;
	s10 =	sadd.s32 $0x600, s10  }
.LBB2_12:
0xf: {  	s21 =	sadd.s32 $0x1, s21  }
0x10: {  	p0 =	sne.s32 s21, s11  }
.Ltmp1:
0x11: {  	_ = 	snop;
	(pc) =	sbr.rel @!p0 .LBB2_13-.Ltmp1, $4  }
0x12: {  	[hbm4b:s10+s17] =	stream.strided.scatter [tilespmem:s3], [sflag:$0x4], $0x10000, s18, s17, $0x38;
	[tilespmem:$0x1C000] =	vst v63  }
0x13: {  	_ =	swait.ge [sflag:s19], $0x10000  }
0x14: {  	[sflag:s19] =	ssyncset.done $0x0  }
0x15: {  	[sflag:s19] =	ssyncadd.s32 $0xFFFF0000  }
.LBB2_1:
0x16: {  	[tilespmem:s12], [sflag:$0x1] =	stream.linear.gather [hbm4b:s4+s3], $0x4000, $0x38;
	[tilespmem:$0x1C000] =	vst v63  }
0x17: {  	_ = 	snop  }
0x18: {  	[tilespmem:s13], [sflag:$0x2] =	stream.linear.gather [hbm4b:s5+s3], $0x4000, $0x38;
	[tilespmem:$0x1C000] =	vst v63  }
0x19: {  	s22 =	simm.s32 $0x0;
	s23 =	simm.s32 $0x800  }
0x1a: {  	[tilespmem:s14], [sflag:$0x3] =	stream.linear.gather [hbm4b:s6+s3], $0x4000, $0x38;
	[tilespmem:$0x1C000] =	vst v63  }
.LBB2_2:
0x1b: {  	p0 =	sne.s32 s23, $0x3F800;
	[tilespmem:s22+$0x1F0] =	vst v0  }
0x1c: {  	[tilespmem:s22+$0x0] =	vst v0  }
0x1d: {  	[tilespmem:s22+$0x10] =	vst v0  }
0x1e: {  	[tilespmem:s22+$0x20] =	vst v0  }
0x1f: {  	[tilespmem:s22+$0x30] =	vst v0  }
0x20: {  	[tilespmem:s22+$0x40] =	vst v0  }
0x21: {  	[tilespmem:s22+$0x50] =	vst v0  }
0x22: {  	[tilespmem:s22+$0x60] =	vst v0  }
0x23: {  	[tilespmem:s22+$0x70] =	vst v0  }
0x24: {  	[tilespmem:s22+$0x80] =	vst v0  }
0x25: {  	[tilespmem:s22+$0x90] =	vst v0  }
0x26: {  	[tilespmem:s22+$0xA0] =	vst v0  }
0x27: {  	[tilespmem:s22+$0xB0] =	vst v0  }
0x28: {  	[tilespmem:s22+$0xC0] =	vst v0  }
0x29: {  	[tilespmem:s22+$0xD0] =	vst v0  }
0x2a: {  	[tilespmem:s22+$0xE0] =	vst v0  }
0x2b: {  	[tilespmem:s22+$0xF0] =	vst v0  }
0x2c: {  	[tilespmem:s22+$0x100] =	vst v0  }
0x2d: {  	[tilespmem:s22+$0x110] =	vst v0  }
0x2e: {  	[tilespmem:s22+$0x120] =	vst v0  }
0x2f: {  	[tilespmem:s22+$0x130] =	vst v0  }
0x30: {  	[tilespmem:s22+$0x140] =	vst v0  }
0x31: {  	[tilespmem:s22+$0x150] =	vst v0  }
0x32: {  	[tilespmem:s22+$0x160] =	vst v0  }
0x33: {  	[tilespmem:s22+$0x170] =	vst v0  }
0x34: {  	[tilespmem:s22+$0x180] =	vst v0  }
0x35: {  	[tilespmem:s22+$0x190] =	vst v0  }
.Ltmp2:
0x36: {  	[tilespmem:s22+$0x1A0] =	vst v0;
	(pc) =	sbr.rel @p0 .LBB2_2-.Ltmp2, $4  }
0x37: {  	[tilespmem:s22+$0x1B0] =	vst v0  }
0x38: {  	[tilespmem:s22+$0x1C0] =	vst v0  }
0x39: {  	[tilespmem:s22+$0x1D0] =	vst v0  }
0x3a: {  	[tilespmem:s22+$0x1E0] =	vst v0;
	s22 =	sshra.s32 s23, $0x2;
	s23 =	sadd.s32 $0x800, s23  }
0x3b: {  	[tilespmem:s22+$0x1F0] =	vst v0  }
0x3c: {  	[tilespmem:s22+$0x0] =	vst v0  }
0x3d: {  	[tilespmem:s22+$0x10] =	vst v0  }
0x3e: {  	[tilespmem:s22+$0x20] =	vst v0  }
0x3f: {  	[tilespmem:s22+$0x30] =	vst v0  }
0x40: {  	[tilespmem:s22+$0x40] =	vst v0  }
0x41: {  	[tilespmem:s22+$0x50] =	vst v0  }
0x42: {  	[tilespmem:s22+$0x60] =	vst v0  }
0x43: {  	[tilespmem:s22+$0x70] =	vst v0  }
0x44: {  	[tilespmem:s22+$0x80] =	vst v0  }
0x45: {  	[tilespmem:s22+$0x90] =	vst v0  }
0x46: {  	[tilespmem:s22+$0xA0] =	vst v0  }
0x47: {  	[tilespmem:s22+$0xB0] =	vst v0  }
0x48: {  	[tilespmem:s22+$0xC0] =	vst v0  }
0x49: {  	[tilespmem:s22+$0xD0] =	vst v0  }
0x4a: {  	[tilespmem:s22+$0xE0] =	vst v0  }
0x4b: {  	[tilespmem:s22+$0xF0] =	vst v0  }
0x4c: {  	[tilespmem:s22+$0x100] =	vst v0  }
0x4d: {  	[tilespmem:s22+$0x110] =	vst v0  }
0x4e: {  	[tilespmem:s22+$0x120] =	vst v0  }
0x4f: {  	[tilespmem:s22+$0x130] =	vst v0  }
0x50: {  	[tilespmem:s22+$0x140] =	vst v0  }
0x51: {  	[tilespmem:s22+$0x150] =	vst v0  }
0x52: {  	[tilespmem:s22+$0x160] =	vst v0  }
0x53: {  	[tilespmem:s22+$0x170] =	vst v0  }
0x54: {  	[tilespmem:s22+$0x180] =	vst v0  }
0x55: {  	[tilespmem:s22+$0x190] =	vst v0  }
0x56: {  	[tilespmem:s22+$0x1A0] =	vst v0  }
0x57: {  	[tilespmem:s22+$0x1B0] =	vst v0  }
0x58: {  	[tilespmem:s22+$0x1C0] =	vst v0  }
0x59: {  	[tilespmem:s22+$0x1D0] =	vst v0  }
0x5a: {  	[tilespmem:s22+$0x1E0] =	vst v0;
	s22 =	simm.s32 $0x0  }
.LBB2_4:
0x5b: {  	_ =	swait.ge [sflag:s15], $0x4000  }
0x5c: {  	[sflag:s15] =	ssyncset.done $0x0  }
0x5d: {  	s23 =	simm.s32 $0x10080;
	[sflag:s15] =	ssyncadd.s32 $0xFFFFC000  }
0x5e: {  	v3 =	vld [tilespmem:s23+$0x30]  }
0x5f: {  	v4 =	vld [tilespmem:s23+$0x40]  }
0x60: {  	v2 =	vld [tilespmem:s23+$0xFFFFFF80]  }
0x61: {  	v5 =	vld [tilespmem:s23+$0x70]  }
0x62: {  	v6 =	vld [tilespmem:s23+$0xFFFFFFD0]  }
0x63: {  	v7 =	vld [tilespmem:s23+$0xFFFFFFE0]  }
0x64: {  	v8 =	vld [tilespmem:s23+$0xFFFFFFF0]  }
0x65: {  	v9 =	vld [tilespmem:s23+$0x0]  }
0x66: {  	v10 =	vld [tilespmem:s23+$0x60]  }
0x67: {  	v11 =	vld [tilespmem:s23+$0x50]  }
0x68: {  	v62 =	vld [tilespmem:s23+$0xFFFFFFA0]  }
0x69: {  	v12 =	vld [tilespmem:s23+$0x20]  }
0x6a: {  	v13 =	vld [tilespmem:s23+$0x10]  }
0x6b: {  	v63 =	vld [tilespmem:s23+$0xFFFFFFB0]  }
0x6c: {  	[tilespmem:v2+s3+$0x0] =	vst.idx.add.s32.msk $0xffff, v1  }
0x6d: {  	[tilespmem:v5+s3+$0x0] =	vst.idx.add.s32.msk $0xffff, v1  }
0x6e: {  	v2 =	vld [tilespmem:s23+$0xFFFFFF90]  }
0x6f: {  	[tilespmem:v10+s3+$0x0] =	vst.idx.add.s32.msk $0xffff, v1  }
0x70: {  	[tilespmem:v11+s3+$0x0] =	vst.idx.add.s32.msk $0xffff, v1  }
0x71: {  	[tilespmem:v4+s3+$0x0] =	vst.idx.add.s32.msk $0xffff, v1  }
0x72: {  	[tilespmem:v3+s3+$0x0] =	vst.idx.add.s32.msk $0xffff, v1  }
0x73: {  	v3 =	vld [tilespmem:s23+$0xFFFFFFC0]  }
0x74: {  	[tilespmem:v12+s3+$0x0] =	vst.idx.add.s32.msk $0xffff, v1  }
0x75: {  	[tilespmem:v13+s3+$0x0] =	vst.idx.add.s32.msk $0xffff, v1  }
0x76: {  	[tilespmem:v9+s3+$0x0] =	vst.idx.add.s32.msk $0xffff, v1  }
0x77: {  	[tilespmem:v8+s3+$0x0] =	vst.idx.add.s32.msk $0xffff, v1  }
0x78: {  	[tilespmem:v7+s3+$0x0] =	vst.idx.add.s32.msk $0xffff, v1  }
0x79: {  	[tilespmem:v6+s3+$0x0] =	vst.idx.add.s32.msk $0xffff, v1  }
0x7a: {  	[tilespmem:v63+s3+$0x0] =	vst.idx.add.s32.msk $0xffff, v1  }
0x7b: {  	[tilespmem:v62+s3+$0x0] =	vst.idx.add.s32.msk $0xffff, v1  }
0x7c: {  	s24 =	simm.s32 $0x0;
	[tilespmem:v3+s3+$0x0] =	vst.idx.add.s32.msk $0xffff, v1  }
.LBB2_5:
0x7d: {  	s24 =	sadd.s32 $0x100, s24;
	[tilespmem:v2+s3+$0x0] =	vst.idx.add.s32.msk $0xffff, v1;
	s23 =	sadd.s32 $0x100, s23  }
0x7e: {  	v3 =	vld [tilespmem:s23+$0x30];
	p0 =	slt.u32 s24, $0x3F00  }
0x7f: {  	v4 =	vld [tilespmem:s23+$0x40]  }
0x80: {  	v2 =	vld [tilespmem:s23+$0xFFFFFF80]  }
0x81: {  	v5 =	vld [tilespmem:s23+$0x70]  }
0x82: {  	v6 =	vld [tilespmem:s23+$0xFFFFFFD0]  }
0x83: {  	v7 =	vld [tilespmem:s23+$0xFFFFFFE0]  }
0x84: {  	v8 =	vld [tilespmem:s23+$0xFFFFFFF0]  }
0x85: {  	v9 =	vld [tilespmem:s23+$0x0]  }
0x86: {  	v10 =	vld [tilespmem:s23+$0x60]  }
0x87: {  	v11 =	vld [tilespmem:s23+$0x50]  }
0x88: {  	[tilespmem:v2+s3+$0x0] =	vst.idx.add.s32.msk $0xffff, v1  }
0x89: {  	[tilespmem:v5+s3+$0x0] =	vst.idx.add.s32.msk $0xffff, v1  }
0x8a: {  	v2 =	vld [tilespmem:s23+$0xFFFFFF90]  }
0x8b: {  	v5 =	vld [tilespmem:s23+$0xFFFFFFA0]  }
0x8c: {  	v12 =	vld [tilespmem:s23+$0x20]  }
0x8d: {  	v13 =	vld [tilespmem:s23+$0x10]  }
0x8e: {  	[tilespmem:v10+s3+$0x0] =	vst.idx.add.s32.msk $0xffff, v1  }
0x8f: {  	[tilespmem:v11+s3+$0x0] =	vst.idx.add.s32.msk $0xffff, v1  }
0x90: {  	[tilespmem:v4+s3+$0x0] =	vst.idx.add.s32.msk $0xffff, v1  }
0x91: {  	[tilespmem:v3+s3+$0x0] =	vst.idx.add.s32.msk $0xffff, v1  }
0x92: {  	v3 =	vld [tilespmem:s23+$0xFFFFFFC0]  }
0x93: {  	v4 =	vld [tilespmem:s23+$0xFFFFFFB0]  }
0x94: {  	[tilespmem:v12+s3+$0x0] =	vst.idx.add.s32.msk $0xffff, v1  }
0x95: {  	[tilespmem:v13+s3+$0x0] =	vst.idx.add.s32.msk $0xffff, v1  }
0x96: {  	[tilespmem:v9+s3+$0x0] =	vst.idx.add.s32.msk $0xffff, v1  }
0x97: {  	[tilespmem:v8+s3+$0x0] =	vst.idx.add.s32.msk $0xffff, v1  }
.Ltmp3:
0x98: {  	[tilespmem:v7+s3+$0x0] =	vst.idx.add.s32.msk $0xffff, v1;
	(pc) =	sbr.rel @p0 .LBB2_5-.Ltmp3, $4  }
0x99: {  	[tilespmem:v6+s3+$0x0] =	vst.idx.add.s32.msk $0xffff, v1  }
0x9a: {  	[tilespmem:v3+s3+$0x0] =	vst.idx.add.s32.msk $0xffff, v1  }
0x9b: {  	[tilespmem:v4+s3+$0x0] =	vst.idx.add.s32.msk $0xffff, v1  }
0x9c: {  	[tilespmem:v5+s3+$0x0] =	vst.idx.add.s32.msk $0xffff, v1  }
0x9d: {  	p0 =	seq.s32 s22, $0xA  }
0x9e: {  	s23 =	smul.u32 @!p0 $0xC000, s22;
	_ =	sdelay $0x1  }
0x9f: {  	s23 =	sadd.s32 @!p0 s23, s7  }
0xa0: {  	s23 =	sshrl.u32 @!p0 s23, $0x3  }
0xa1: {  	[tilespmem:v2+s3+$0x0] =	vst.idx.add.s32.msk $0xffff, v1;
	s24 =	simm.s32 @!p0 $0x0;
	s25 =	simm.s32 @!p0 $0x10000;
	s23 =	sadd.s32 @!p0 s2, s23  }
0xa2: {  	[tilespmem:s25], [sflag:$0x1] =	stream.linear.gather @!p0 [hbm4b:s23+s24], $0x4000, $0x38;
	[tilespmem:$0x1C000] =	vst v63  }
0xa3: {  	_ =	swait.ge [sflag:s16], $0x4000  }
0xa4: {  	[sflag:s16] =	ssyncset.done $0x0  }
0xa5: {  	s23 =	simm.s32 $0x14080;
	[sflag:s16] =	ssyncadd.s32 $0xFFFFC000  }
0xa6: {  	v3 =	vld [tilespmem:s23+$0x30]  }
0xa7: {  	v4 =	vld [tilespmem:s23+$0x40]  }
0xa8: {  	v2 =	vld [tilespmem:s23+$0xFFFFFF80]  }
0xa9: {  	v5 =	vld [tilespmem:s23+$0x70]  }
0xaa: {  	v6 =	vld [tilespmem:s23+$0xFFFFFFD0]  }
0xab: {  	v7 =	vld [tilespmem:s23+$0xFFFFFFE0]  }
0xac: {  	v8 =	vld [tilespmem:s23+$0xFFFFFFF0]  }
0xad: {  	v9 =	vld [tilespmem:s23+$0x0]  }
0xae: {  	v10 =	vld [tilespmem:s23+$0x60]  }
0xaf: {  	v11 =	vld [tilespmem:s23+$0x50]  }
0xb0: {  	v62 =	vld [tilespmem:s23+$0xFFFFFFA0]  }
0xb1: {  	v12 =	vld [tilespmem:s23+$0x20]  }
0xb2: {  	v13 =	vld [tilespmem:s23+$0x10]  }
0xb3: {  	v63 =	vld [tilespmem:s23+$0xFFFFFFB0]  }
0xb4: {  	[tilespmem:v2+s3+$0x0] =	vst.idx.add.s32.msk $0xffff, v1  }
0xb5: {  	[tilespmem:v5+s3+$0x0] =	vst.idx.add.s32.msk $0xffff, v1  }
0xb6: {  	v2 =	vld [tilespmem:s23+$0xFFFFFF90]  }
0xb7: {  	[tilespmem:v10+s3+$0x0] =	vst.idx.add.s32.msk $0xffff, v1  }
0xb8: {  	[tilespmem:v11+s3+$0x0] =	vst.idx.add.s32.msk $0xffff, v1  }
0xb9: {  	[tilespmem:v4+s3+$0x0] =	vst.idx.add.s32.msk $0xffff, v1  }
0xba: {  	[tilespmem:v3+s3+$0x0] =	vst.idx.add.s32.msk $0xffff, v1  }
0xbb: {  	v3 =	vld [tilespmem:s23+$0xFFFFFFC0]  }
0xbc: {  	[tilespmem:v12+s3+$0x0] =	vst.idx.add.s32.msk $0xffff, v1  }
0xbd: {  	[tilespmem:v13+s3+$0x0] =	vst.idx.add.s32.msk $0xffff, v1  }
0xbe: {  	[tilespmem:v9+s3+$0x0] =	vst.idx.add.s32.msk $0xffff, v1  }
0xbf: {  	[tilespmem:v8+s3+$0x0] =	vst.idx.add.s32.msk $0xffff, v1  }
0xc0: {  	[tilespmem:v7+s3+$0x0] =	vst.idx.add.s32.msk $0xffff, v1  }
0xc1: {  	[tilespmem:v6+s3+$0x0] =	vst.idx.add.s32.msk $0xffff, v1  }
0xc2: {  	[tilespmem:v63+s3+$0x0] =	vst.idx.add.s32.msk $0xffff, v1  }
0xc3: {  	[tilespmem:v62+s3+$0x0] =	vst.idx.add.s32.msk $0xffff, v1  }
0xc4: {  	s24 =	simm.s32 $0x0;
	[tilespmem:v3+s3+$0x0] =	vst.idx.add.s32.msk $0xffff, v1  }
.LBB2_7:
0xc5: {  	s24 =	sadd.s32 $0x100, s24;
	[tilespmem:v2+s3+$0x0] =	vst.idx.add.s32.msk $0xffff, v1;
	s23 =	sadd.s32 $0x100, s23  }
0xc6: {  	v3 =	vld [tilespmem:s23+$0x30];
	p1 =	slt.u32 s24, $0x3F00  }
0xc7: {  	v4 =	vld [tilespmem:s23+$0x40]  }
0xc8: {  	v2 =	vld [tilespmem:s23+$0xFFFFFF80]  }
0xc9: {  	v5 =	vld [tilespmem:s23+$0x70]  }
0xca: {  	v6 =	vld [tilespmem:s23+$0xFFFFFFD0]  }
0xcb: {  	v7 =	vld [tilespmem:s23+$0xFFFFFFE0]  }
0xcc: {  	v8 =	vld [tilespmem:s23+$0xFFFFFFF0]  }
0xcd: {  	v9 =	vld [tilespmem:s23+$0x0]  }
0xce: {  	v10 =	vld [tilespmem:s23+$0x60]  }
0xcf: {  	v11 =	vld [tilespmem:s23+$0x50]  }
0xd0: {  	[tilespmem:v2+s3+$0x0] =	vst.idx.add.s32.msk $0xffff, v1  }
0xd1: {  	[tilespmem:v5+s3+$0x0] =	vst.idx.add.s32.msk $0xffff, v1  }
0xd2: {  	v2 =	vld [tilespmem:s23+$0xFFFFFF90]  }
0xd3: {  	v5 =	vld [tilespmem:s23+$0xFFFFFFA0]  }
0xd4: {  	v12 =	vld [tilespmem:s23+$0x20]  }
0xd5: {  	v13 =	vld [tilespmem:s23+$0x10]  }
0xd6: {  	[tilespmem:v10+s3+$0x0] =	vst.idx.add.s32.msk $0xffff, v1  }
0xd7: {  	[tilespmem:v11+s3+$0x0] =	vst.idx.add.s32.msk $0xffff, v1  }
0xd8: {  	[tilespmem:v4+s3+$0x0] =	vst.idx.add.s32.msk $0xffff, v1  }
0xd9: {  	[tilespmem:v3+s3+$0x0] =	vst.idx.add.s32.msk $0xffff, v1  }
0xda: {  	v3 =	vld [tilespmem:s23+$0xFFFFFFC0]  }
0xdb: {  	v4 =	vld [tilespmem:s23+$0xFFFFFFB0]  }
0xdc: {  	[tilespmem:v12+s3+$0x0] =	vst.idx.add.s32.msk $0xffff, v1  }
0xdd: {  	[tilespmem:v13+s3+$0x0] =	vst.idx.add.s32.msk $0xffff, v1  }
0xde: {  	[tilespmem:v9+s3+$0x0] =	vst.idx.add.s32.msk $0xffff, v1  }
0xdf: {  	[tilespmem:v8+s3+$0x0] =	vst.idx.add.s32.msk $0xffff, v1  }
.Ltmp4:
0xe0: {  	[tilespmem:v7+s3+$0x0] =	vst.idx.add.s32.msk $0xffff, v1;
	(pc) =	sbr.rel @p1 .LBB2_7-.Ltmp4, $4  }
0xe1: {  	[tilespmem:v6+s3+$0x0] =	vst.idx.add.s32.msk $0xffff, v1  }
0xe2: {  	[tilespmem:v3+s3+$0x0] =	vst.idx.add.s32.msk $0xffff, v1  }
0xe3: {  	[tilespmem:v4+s3+$0x0] =	vst.idx.add.s32.msk $0xffff, v1  }
0xe4: {  	[tilespmem:v5+s3+$0x0] =	vst.idx.add.s32.msk $0xffff, v1  }
.Ltmp5:
0xe5: {  	_ = 	snop;
	(pc) =	sbr.rel @p0 .LBB2_12-.Ltmp5, $2  }
0xe6: {  	_ =	sdelay $0x2  }
0xe7: {  	[tilespmem:v2+s3+$0x0] =	vst.idx.add.s32.msk $0xffff, v1  }
0xe8: {  	s23 =	smul.u32 $0xC000, s22;
	_ =	sdelay $0x1  }
0xe9: {  	s24 =	sadd.s32 s23, s8  }
0xea: {  	s24 =	sshrl.u32 s24, $0x3  }
0xeb: {  	s24 =	sadd.s32 s2, s24  }
0xec: {  	[tilespmem:s13], [sflag:$0x2] =	stream.linear.gather [hbm4b:s24+s3], $0x4000, $0x38;
	[tilespmem:$0x1C000] =	vst v63  }
0xed: {  	_ =	swait.ge [sflag:s20], $0x4000  }
0xee: {  	[sflag:s20] =	ssyncset.done $0x0  }
0xef: {  	s24 =	simm.s32 $0x18080;
	[sflag:s20] =	ssyncadd.s32 $0xFFFFC000  }
0xf0: {  	v3 =	vld [tilespmem:s24+$0x30]  }
0xf1: {  	v4 =	vld [tilespmem:s24+$0x40]  }
0xf2: {  	v2 =	vld [tilespmem:s24+$0xFFFFFF80]  }
0xf3: {  	v5 =	vld [tilespmem:s24+$0x70]  }
0xf4: {  	v6 =	vld [tilespmem:s24+$0xFFFFFFD0]  }
0xf5: {  	v7 =	vld [tilespmem:s24+$0xFFFFFFE0]  }
0xf6: {  	v8 =	vld [tilespmem:s24+$0xFFFFFFF0]  }
0xf7: {  	v9 =	vld [tilespmem:s24+$0x0]  }
0xf8: {  	v10 =	vld [tilespmem:s24+$0x60]  }
0xf9: {  	v11 =	vld [tilespmem:s24+$0x50]  }
0xfa: {  	v62 =	vld [tilespmem:s24+$0xFFFFFFA0]  }
0xfb: {  	v12 =	vld [tilespmem:s24+$0x20]  }
0xfc: {  	v13 =	vld [tilespmem:s24+$0x10]  }
0xfd: {  	v63 =	vld [tilespmem:s24+$0xFFFFFFB0]  }
0xfe: {  	[tilespmem:v2+s3+$0x0] =	vst.idx.add.s32.msk $0xffff, v1  }
0xff: {  	[tilespmem:v5+s3+$0x0] =	vst.idx.add.s32.msk $0xffff, v1  }
0x100: {  	v2 =	vld [tilespmem:s24+$0xFFFFFF90]  }
0x101: {  	[tilespmem:v10+s3+$0x0] =	vst.idx.add.s32.msk $0xffff, v1  }
0x102: {  	[tilespmem:v11+s3+$0x0] =	vst.idx.add.s32.msk $0xffff, v1  }
0x103: {  	[tilespmem:v4+s3+$0x0] =	vst.idx.add.s32.msk $0xffff, v1  }
0x104: {  	[tilespmem:v3+s3+$0x0] =	vst.idx.add.s32.msk $0xffff, v1  }
0x105: {  	v3 =	vld [tilespmem:s24+$0xFFFFFFC0]  }
0x106: {  	[tilespmem:v12+s3+$0x0] =	vst.idx.add.s32.msk $0xffff, v1  }
0x107: {  	[tilespmem:v13+s3+$0x0] =	vst.idx.add.s32.msk $0xffff, v1  }
0x108: {  	[tilespmem:v9+s3+$0x0] =	vst.idx.add.s32.msk $0xffff, v1  }
0x109: {  	[tilespmem:v8+s3+$0x0] =	vst.idx.add.s32.msk $0xffff, v1  }
0x10a: {  	[tilespmem:v7+s3+$0x0] =	vst.idx.add.s32.msk $0xffff, v1  }
0x10b: {  	[tilespmem:v6+s3+$0x0] =	vst.idx.add.s32.msk $0xffff, v1  }
0x10c: {  	[tilespmem:v63+s3+$0x0] =	vst.idx.add.s32.msk $0xffff, v1  }
0x10d: {  	[tilespmem:v62+s3+$0x0] =	vst.idx.add.s32.msk $0xffff, v1  }
0x10e: {  	s25 =	simm.s32 $0x0;
	[tilespmem:v3+s3+$0x0] =	vst.idx.add.s32.msk $0xffff, v1  }
.LBB2_10:
0x10f: {  	s25 =	sadd.s32 $0x100, s25;
	[tilespmem:v2+s3+$0x0] =	vst.idx.add.s32.msk $0xffff, v1;
	s24 =	sadd.s32 $0x100, s24  }
0x110: {  	v3 =	vld [tilespmem:s24+$0x30];
	p0 =	slt.u32 s25, $0x3F00  }
0x111: {  	v4 =	vld [tilespmem:s24+$0x40]  }
0x112: {  	v2 =	vld [tilespmem:s24+$0xFFFFFF80]  }
0x113: {  	v5 =	vld [tilespmem:s24+$0x70]  }
0x114: {  	v6 =	vld [tilespmem:s24+$0xFFFFFFD0]  }
0x115: {  	v7 =	vld [tilespmem:s24+$0xFFFFFFE0]  }
0x116: {  	v8 =	vld [tilespmem:s24+$0xFFFFFFF0]  }
0x117: {  	v9 =	vld [tilespmem:s24+$0x0]  }
0x118: {  	v10 =	vld [tilespmem:s24+$0x60]  }
0x119: {  	v11 =	vld [tilespmem:s24+$0x50]  }
0x11a: {  	[tilespmem:v2+s3+$0x0] =	vst.idx.add.s32.msk $0xffff, v1  }
0x11b: {  	[tilespmem:v5+s3+$0x0] =	vst.idx.add.s32.msk $0xffff, v1  }
0x11c: {  	v2 =	vld [tilespmem:s24+$0xFFFFFF90]  }
0x11d: {  	v5 =	vld [tilespmem:s24+$0xFFFFFFA0]  }
0x11e: {  	v12 =	vld [tilespmem:s24+$0x20]  }
0x11f: {  	v13 =	vld [tilespmem:s24+$0x10]  }
0x120: {  	[tilespmem:v10+s3+$0x0] =	vst.idx.add.s32.msk $0xffff, v1  }
0x121: {  	[tilespmem:v11+s3+$0x0] =	vst.idx.add.s32.msk $0xffff, v1  }
0x122: {  	[tilespmem:v4+s3+$0x0] =	vst.idx.add.s32.msk $0xffff, v1  }
0x123: {  	[tilespmem:v3+s3+$0x0] =	vst.idx.add.s32.msk $0xffff, v1  }
0x124: {  	v3 =	vld [tilespmem:s24+$0xFFFFFFC0]  }
0x125: {  	v4 =	vld [tilespmem:s24+$0xFFFFFFB0]  }
0x126: {  	[tilespmem:v12+s3+$0x0] =	vst.idx.add.s32.msk $0xffff, v1  }
0x127: {  	[tilespmem:v13+s3+$0x0] =	vst.idx.add.s32.msk $0xffff, v1  }
0x128: {  	[tilespmem:v9+s3+$0x0] =	vst.idx.add.s32.msk $0xffff, v1  }
0x129: {  	[tilespmem:v8+s3+$0x0] =	vst.idx.add.s32.msk $0xffff, v1  }
.Ltmp6:
0x12a: {  	[tilespmem:v7+s3+$0x0] =	vst.idx.add.s32.msk $0xffff, v1;
	(pc) =	sbr.rel @p0 .LBB2_10-.Ltmp6, $4  }
0x12b: {  	[tilespmem:v6+s3+$0x0] =	vst.idx.add.s32.msk $0xffff, v1  }
0x12c: {  	[tilespmem:v3+s3+$0x0] =	vst.idx.add.s32.msk $0xffff, v1  }
0x12d: {  	[tilespmem:v4+s3+$0x0] =	vst.idx.add.s32.msk $0xffff, v1  }
0x12e: {  	[tilespmem:v5+s3+$0x0] =	vst.idx.add.s32.msk $0xffff, v1  }
0x12f: {  	_ = 	snop  }
0x130: {  	p0 =	sgt.u32 s22, $0x8  }
0x131: {  	s23 =	sadd.s32 @!p0 s23, s9  }
0x132: {  	s22 =	sadd.s32 $0x1, s22;
	s23 =	sshrl.u32 @!p0 s23, $0x3  }
0x133: {  	[tilespmem:v2+s3+$0x0] =	vst.idx.add.s32.msk $0xffff, v1;
	s24 =	simm.s32 @!p0 $0x0;
	s25 =	simm.s32 @!p0 $0x18000;
	s23 =	sadd.s32 @!p0 s2, s23  }
0x134: {  	[tilespmem:s25], [sflag:$0x3] =	stream.linear.gather @!p0 [hbm4b:s23+s24], $0x4000, $0x38;
	[tilespmem:$0x1C000] =	vst v63  }
0x135: {  	p0 =	sne.s32 s22, $0xB  }
.Ltmp7:
0x136: {  	_ = 	snop;
	(pc) =	sbr.rel @p0 .LBB2_4-.Ltmp7, $4  }
.Ltmp8:
0x137: {  	_ = 	snop;
	(pc) =	sbr.rel @!p0 .LBB2_12-.Ltmp8, $4  }
0x138: {  	_ = 	snop  }
0x139: {  	_ = 	snop  }
0x13a: {  	_ = 	snop  }
0x13b: {  	_ = 	snop  }
.LBB2_13:
0x13c: {  	_ =	sfence.sel $0x180000  }
0x13d: {  	[bflag:$0x0] =	sbarrier.arrive $0xFFFF  }
0x13e: {  	p0 =	sne.s32 s0, $0x0;
	_ =	strace $0x90000047  }
0x13f: {  	s0 =	sadd.s32 @!p0 $0x100000, s1;
	[bflag:$0x2] =	sbarrier.arrive $0xFFFF  }
0x140: {  	[sflag:s0] =	ssyncadd.tile.s32 @!p0 $0x1;
	_ =	shalt  }
.Lfunc_end2:
_tile_overlayer_lowered:
.L_overlay_start_2:
0x141: {  	(tag) =	ssettag $0x2  }
0x142: {  	s0 =	rddreg [dreg:$0x0];
	s2 =	stileid.u32  }
0x143: {  	s1 =	rddreg [dreg:$0x1];
	p0 =	sne.s32 s2, $0x0  }
0x144: {  	s3 =	rddreg [dreg:$0x2];
	[bflag:$0x3] =	sbarrier.arrive $0xFFFF;
	s2 =	simm.s32 @!p0 $0x1C04  }
0x145: {  	[timem:s3], [sflag:s2] =	dma.local @!p0 [hbm:s0], s1  }
0x146: {  	s0 =	simm.s32 @!p0 $0x4  }
0x147: {  	_ =	swait.ge @!p0 [sflag:s0], s1  }
0x148: {  	s1 =	ssub.s32 @!p0 $0x0, s1;
	[sflag:s0] =	ssyncset.done @!p0 $0x0  }
0x149: {  	[sflag:s0] =	ssyncadd.s32 @!p0 s1  }
0x14a: {  	[bflag:$0x3] =	sbarrier.arrive $0xFFFF  }
0x14b: {  	_ =	shalt  }

</sc_bundles>
